<compile_context>
chip_gen: v7x
topology: tpu7x:2x2x1
jax: 0.10.2.dev20260603
libtpu: 0.0.44.dev20260713+nightly
codegen_flags: <defaults>
</compile_context>

<pallas_src>
import jax
import jax.numpy as jnp
from jax import lax
from jax.experimental import pallas as pl
from jax.experimental.pallas import tpu as pltpu
from jax.experimental.pallas import tpu_sc as plsc

_N = 5000
_T = 128
_NP = 5120
_M = _NP // _T
_THR = 0.6
_W = 4
_NPW = _NP + (_W - 1) * _T

_NC, _NS = 2, 16
_NW = _NC * _NS
_BPW = _NP // _NW
_CH = _BPW // 2


def _sc_gather_body(table_hbm, idx_hbm, out_hbm, idx0, idx1, rows, sem):
    wid = lax.axis_index("s") * _NC + lax.axis_index("c")
    base = wid * _BPW
    pltpu.sync_copy(idx_hbm.at[pl.ds(base, _CH)], idx0)
    pltpu.sync_copy(idx_hbm.at[pl.ds(base + _CH, _CH)], idx1)
    c0 = pltpu.async_copy(table_hbm.at[idx0], rows.at[pl.ds(0, _CH)], sem)
    c1 = pltpu.async_copy(table_hbm.at[idx1], rows.at[pl.ds(_CH, _CH)], sem)
    c0.wait()
    c1.wait()
    pltpu.sync_copy(rows, out_hbm.at[pl.ds(base, _BPW)])


def _sc_gather(table, idx):
    return pl.kernel(
        _sc_gather_body,
        out_type=jax.ShapeDtypeStruct((_NP, 128), jnp.float32),
        mesh=plsc.VectorSubcoreMesh(core_axis_name="c", subcore_axis_name="s"),
        scratch_types=[
            pltpu.VMEM((_CH,), jnp.int32),
            pltpu.VMEM((_CH,), jnp.int32),
            pltpu.VMEM((_BPW, 128), jnp.float32),
            pltpu.SemaphoreType.DMA,
        ],
    )(table, idx)


def _nms_body(x1c_ref, y1c_ref, x2c_ref, y2c_ref, boxesT_ref, scores_ref,
              out_ref, keep_ref, area_ref):
    keep_ref[...] = jnp.ones((1, _NPW), jnp.float32)
    area_ref[...] = (
        jnp.maximum(boxesT_ref[2:3, :] - boxesT_ref[0:1, :], 0.0)
        * jnp.maximum(boxesT_ref[3:4, :] - boxesT_ref[1:2, :], 0.0))

    rows_i = lax.broadcasted_iota(jnp.int32, (_T, _T), 0)
    cols_i = lax.broadcasted_iota(jnp.int32, (_T, _T), 1)
    upper = (cols_i > rows_i).astype(jnp.float32)
    eye = (rows_i == cols_i).astype(jnp.float32)

    def to_col(v):
        return jnp.sum(eye * v, axis=1, keepdims=True)

    def block_step(i, carry):
        base = pl.multiple_of(i * _T, _T)
        x1c = x1c_ref[pl.ds(base, _T), :]
        y1c = y1c_ref[pl.ds(base, _T), :]
        x2c = x2c_ref[pl.ds(base, _T), :]
        y2c = y2c_ref[pl.ds(base, _T), :]
        areac = jnp.maximum(x2c - x1c, 0.0) * jnp.maximum(y2c - y1c, 0.0)

        def iou_vs_row(off, width=_T):
            x1r = boxesT_ref[0:1, pl.ds(off, width)]
            y1r = boxesT_ref[1:2, pl.ds(off, width)]
            x2r = boxesT_ref[2:3, pl.ds(off, width)]
            y2r = boxesT_ref[3:4, pl.ds(off, width)]
            arear = area_ref[0:1, pl.ds(off, width)]
            iw = jnp.maximum(jnp.minimum(x2c, x2r) - jnp.maximum(x1c, x1r), 0.0)
            ih = jnp.maximum(jnp.minimum(y2c, y2r) - jnp.maximum(y1c, y1r), 0.0)
            inter = iw * ih
            union = areac + arear - inter
            return inter / jnp.maximum(union, 1e-9)

        ki = keep_ref[0:1, pl.ds(base, _T)]
        iou_ii = iou_vs_row(base)
        s0 = (iou_ii > _THR).astype(jnp.float32) * upper * to_col(ki)

        def fix_cond(c):
            _s, changed = c
            return changed > 0.0

        def fix_body(c):
            s, _changed = c
            suppressed = jnp.max(s, axis=0, keepdims=True)
            can = ki * (1.0 - suppressed)
            new2 = jnp.max(s * to_col(can), axis=0, keepdims=True)
            s2 = s * (1.0 - to_col(new2))
            return (s2, jnp.sum(jnp.abs(s2 - s)))

        sf, _ = lax.while_loop(fix_cond, fix_body, (s0, jnp.float32(1.0)))
        supf = jnp.max(sf, axis=0, keepdims=True)
        cur = ki * (1.0 - supf)
        keep_ref[0:1, pl.ds(base, _T)] = cur
        kb_col = to_col(cur)

        def cross_step(w, c):
            off = pl.multiple_of((i + 1) * _T + w * (_W * _T), _T)
            iou_ij = iou_vs_row(off, _W * _T)
            sup = (iou_ij > _THR).astype(jnp.float32) * kb_col
            any_sup = jnp.max(sup, axis=0, keepdims=True)
            keep_ref[0:1, pl.ds(off, _W * _T)] *= (1.0 - any_sup)
            return c

        num_wide = (_M - 1 - i + _W - 1) // _W
        lax.fori_loop(0, num_wide, cross_step, 0)
        return carry

    lax.fori_loop(0, _M, block_step, 0)

    keep = keep_ref[0:1, 0:_NP]
    out_ref[0:4, :] = boxesT_ref[0:4, 0:_NP] * keep
    out_ref[4:5, :] = jnp.sqrt(jnp.maximum(scores_ref[...], 1e-8)) * keep


def kernel(boxes, scores):
    order = jnp.argsort(-scores).astype(jnp.int32)
    pad = _NP - _N
    table = jnp.pad(
        jnp.concatenate([boxes.astype(jnp.float32),
                         scores.astype(jnp.float32)[:, None]], axis=1),
        ((0, pad), (0, 123)))
    idx = jnp.concatenate([order, jnp.arange(_N, _NP, dtype=jnp.int32)])
    sorted16 = _sc_gather(table, idx)
    b = sorted16[:, 0:4]
    s = sorted16[:, 4]

    out5 = pl.pallas_call(
        _nms_body,
        out_shape=jax.ShapeDtypeStruct((5, _NP), jnp.float32),
        scratch_shapes=[
            pltpu.VMEM((1, _NPW), jnp.float32),
            pltpu.VMEM((1, _NPW), jnp.float32),
        ],
    )(b[:, 0:1], b[:, 1:2], b[:, 2:3], b[:, 3:4],
      jnp.pad(b.T, ((0, 0), (0, _NPW - _NP))), s.reshape(1, _NP))
    return out5[:, :_N].T

# --- scband reference (transcript-rebuilt; emitter-appended) ---
"""Pipeline reference for scband-topograph-32315333935161 (READ-ONLY COPY).

The authoritative reference and input builder live on the scoring server;
editing this copy changes nothing except your own understanding.
"""

import jax, jax.numpy as jnp
import numpy as np

N_BOXES = 5000
NMS_THRESHOLD = 0.6


def _iou_matrix(boxes):
    x1 = boxes[:, 0]
    y1 = boxes[:, 1]
    x2 = boxes[:, 2]
    y2 = boxes[:, 3]
    area = jnp.clip(x2 - x1, 0.0) * jnp.clip(y2 - y1, 0.0)
    xx1 = jnp.maximum(x1[:, None], x1[None, :])
    yy1 = jnp.maximum(y1[:, None], y1[None, :])
    xx2 = jnp.minimum(x2[:, None], x2[None, :])
    yy2 = jnp.minimum(y2[:, None], y2[None, :])
    inter = jnp.clip(xx2 - xx1, 0.0) * jnp.clip(yy2 - yy1, 0.0)
    union = area[:, None] + area[None, :] - inter
    return inter / jnp.maximum(union, 1e-9)


def setup_inputs(seed: int = 0):
    key = jax.random.key(seed)
    k1, k2, k3 = jax.random.split(key, 3)
    ctr = jax.random.uniform(k1, (N_BOXES, 2), dtype=jnp.float32) * 1024.0
    wh = jax.random.uniform(k2, (N_BOXES, 2), dtype=jnp.float32) * 128.0 + 4.0
    boxes = jnp.concatenate([ctr - wh * 0.5, ctr + wh * 0.5], axis=1)
    scores = jax.random.uniform(k3, (N_BOXES,), dtype=jnp.float32)
    return {"boxes": boxes, "scores": scores}


def reference(boxes, scores):
    # Greedy hard NMS (boxlist_nms semantics from FCOSPostprocessor):
    # sort by score desc, sequentially suppress lower-scored boxes with IoU > thr.
    n = boxes.shape[0]
    order = jnp.argsort(-scores)
    b = boxes[order]
    s = scores[order]
    iou = jax.lax.stop_gradient(_iou_matrix(b))
    idx = jnp.arange(n)

    def body(keep, i):
        suppress = (iou[i] > NMS_THRESHOLD) & (idx > i) & keep[i]
        return keep & (~suppress), None

    keep, _ = jax.lax.scan(body, jnp.ones((n,), dtype=bool), idx)
    keepf = keep.astype(b.dtype)
    # score = sqrt(cls_p) as in FCOSPostprocessor; suppressed boxes zeroed (fixed shape).
    scores_out = jnp.sqrt(jnp.clip(s, 1e-8)) * keepf
    out = jnp.concatenate([b * keepf[:, None], scores_out[:, None]], axis=1)
    return out

if __name__ == "__main__":
    import jax
    _d = setup_inputs()
    print(jax.jit(kernel)(*tuple(_d.values())))

</pallas_src>

<mosaic_0001>
#map = affine_map<(d0, d1) -> (0, 0)>
#map1 = affine_map<(d0, d1) -> (0)>
module attributes {stable_mosaic.version = 14 : i64} {
  func.func @_sc_gather_body(%arg0: i32, %arg1: i32, %arg2: memref<5120x128xf32, #tpu.memory_space<hbm>>, %arg3: memref<5120xi32, #tpu.memory_space<hbm>>, %arg4: memref<5120x128xf32, #tpu.memory_space<hbm>>, %arg5: memref<80xi32, #tpu.memory_space<vmem>>, %arg6: memref<80xi32, #tpu.memory_space<vmem>>, %arg7: memref<160x128xf32, #tpu.memory_space<vmem>>, %arg8: memref<!tpu.dma_semaphore, #tpu.memory_space<semaphore_mem>>) attributes {dimension_semantics = [#tpu.dimension_semantics<core_parallel>, #tpu.dimension_semantics<subcore_parallel>], iteration_bounds = array<i64: 2, 16>, scalar_prefetch = 0 : i64, scratch_operands = 4 : i64, tpu.core_type = #tpu.core_type<sc_vector_subcore>, window_params = [{transform_indices = #map}, {transform_indices = #map1}, {transform_indices = #map}]} {
    %mul3A = arith.constant 2 : i32
    %mul3A_0 = arith.muli %arg1, %mul3A : i32
    %add3A = arith.addi %mul3A_0, %arg0 : i32
    %mul3A_1 = arith.constant 160 : i32
    %mul3A_2 = arith.muli %add3A, %mul3A_1 : i32
    "tpu.region"() ({
      %run_scoped3A = tpu.sem_alloc : memref<!tpu.dma_semaphore, #tpu.memory_space<semaphore_mem>>
      %dma_start3A_27 = tpu.memref_slice %arg3[%mul3A_2] : memref<5120xi32, #tpu.memory_space<hbm>> -> memref<80xi32, #tpu.memory_space<hbm>>
      %dma_start3A_28 = tpu.memref_slice %arg3[%mul3A_2] : memref<5120xi32, #tpu.memory_space<hbm>> -> memref<80xi32, #tpu.memory_space<hbm>>
      tpu.enqueue_dma source(%dma_start3A_28 : memref<80xi32, #tpu.memory_space<hbm>>) target(%arg5 : memref<80xi32, #tpu.memory_space<vmem>>) target_semaphore(%run_scoped3A : memref<!tpu.dma_semaphore, #tpu.memory_space<semaphore_mem>>)
      %dma_wait3A_29 = tpu.memref_slice %arg3[%mul3A_2] : memref<5120xi32, #tpu.memory_space<hbm>> -> memref<80xi32, #tpu.memory_space<hbm>>
      %dma_wait3A_30 = tpu.memref_slice %arg3[%mul3A_2] : memref<5120xi32, #tpu.memory_space<hbm>> -> memref<80xi32, #tpu.memory_space<hbm>>
      tpu.wait_dma2 semaphore(%run_scoped3A : memref<!tpu.dma_semaphore, #tpu.memory_space<semaphore_mem>>) src(%dma_wait3A_30 : memref<80xi32, #tpu.memory_space<hbm>>) dst(%arg5 : memref<80xi32, #tpu.memory_space<vmem>>)
      tpu.yield
    }) : () -> ()
    %add3A_3 = arith.constant 80 : i32
    %add3A_4 = arith.addi %mul3A_2, %add3A_3 : i32
    "tpu.region"() ({
      %run_scoped3A = tpu.sem_alloc : memref<!tpu.dma_semaphore, #tpu.memory_space<semaphore_mem>>
      %dma_start3A_27 = tpu.memref_slice %arg3[%add3A_4] : memref<5120xi32, #tpu.memory_space<hbm>> -> memref<80xi32, #tpu.memory_space<hbm>>
      %dma_start3A_28 = tpu.memref_slice %arg3[%add3A_4] : memref<5120xi32, #tpu.memory_space<hbm>> -> memref<80xi32, #tpu.memory_space<hbm>>
      tpu.enqueue_dma source(%dma_start3A_28 : memref<80xi32, #tpu.memory_space<hbm>>) target(%arg6 : memref<80xi32, #tpu.memory_space<vmem>>) target_semaphore(%run_scoped3A : memref<!tpu.dma_semaphore, #tpu.memory_space<semaphore_mem>>)
      %dma_wait3A_29 = tpu.memref_slice %arg3[%add3A_4] : memref<5120xi32, #tpu.memory_space<hbm>> -> memref<80xi32, #tpu.memory_space<hbm>>
      %dma_wait3A_30 = tpu.memref_slice %arg3[%add3A_4] : memref<5120xi32, #tpu.memory_space<hbm>> -> memref<80xi32, #tpu.memory_space<hbm>>
      tpu.wait_dma2 semaphore(%run_scoped3A : memref<!tpu.dma_semaphore, #tpu.memory_space<semaphore_mem>>) src(%dma_wait3A_30 : memref<80xi32, #tpu.memory_space<hbm>>) dst(%arg6 : memref<80xi32, #tpu.memory_space<vmem>>)
      tpu.yield
    }) : () -> ()
    %dma_start3A = arith.constant 0 : i32
    %dma_start3A_5 = arith.constant 0 : i32
    %dma_start3A_6 = tpu.memref_slice %arg7[%dma_start3A, %dma_start3A_5] : memref<160x128xf32, #tpu.memory_space<vmem>> -> memref<80x128xf32, #tpu.memory_space<vmem>>
    %dma_start3A_7 = arith.constant 0 : i32
    %dma_start3A_8 = arith.constant 0 : i32
    %dma_start3A_9 = tpu.memref_slice %arg2[%dma_start3A_7, %dma_start3A_8] : memref<5120x128xf32, #tpu.memory_space<hbm>> -> memref<5120x128xf32, #tpu.memory_space<hbm>>
    tpu.enqueue_indirect_dma source(%dma_start3A_9 : memref<5120x128xf32, #tpu.memory_space<hbm>>) target(%dma_start3A_6 : memref<80x128xf32, #tpu.memory_space<vmem>>) offsets(%arg5 : memref<80xi32, #tpu.memory_space<vmem>>) semaphore(%arg8 : memref<!tpu.dma_semaphore, #tpu.memory_space<semaphore_mem>>)
    %dma_start3A_10 = arith.constant 80 : i32
    %dma_start3A_11 = arith.constant 0 : i32
    %dma_start3A_12 = tpu.memref_slice %arg7[%dma_start3A_10, %dma_start3A_11] : memref<160x128xf32, #tpu.memory_space<vmem>> -> memref<80x128xf32, #tpu.memory_space<vmem>>
    %dma_start3A_13 = arith.constant 0 : i32
    %dma_start3A_14 = arith.constant 0 : i32
    %dma_start3A_15 = tpu.memref_slice %arg2[%dma_start3A_13, %dma_start3A_14] : memref<5120x128xf32, #tpu.memory_space<hbm>> -> memref<5120x128xf32, #tpu.memory_space<hbm>>
    tpu.enqueue_indirect_dma source(%dma_start3A_15 : memref<5120x128xf32, #tpu.memory_space<hbm>>) target(%dma_start3A_12 : memref<80x128xf32, #tpu.memory_space<vmem>>) offsets(%arg6 : memref<80xi32, #tpu.memory_space<vmem>>) semaphore(%arg8 : memref<!tpu.dma_semaphore, #tpu.memory_space<semaphore_mem>>)
    %dma_wait3A = arith.constant 0 : i32
    %dma_wait3A_16 = arith.constant 0 : i32
    %dma_wait3A_17 = tpu.memref_slice %arg7[%dma_wait3A, %dma_wait3A_16] : memref<160x128xf32, #tpu.memory_space<vmem>> -> memref<80x128xf32, #tpu.memory_space<vmem>>
    %dma_wait3A_18 = arith.constant 0 : i32
    %dma_wait3A_19 = arith.constant 0 : i32
    %dma_wait3A_20 = tpu.memref_slice %arg2[%dma_wait3A_18, %dma_wait3A_19] : memref<5120x128xf32, #tpu.memory_space<hbm>> -> memref<5120x128xf32, #tpu.memory_space<hbm>>
    tpu.wait_indirect_dma semaphore(%arg8 : memref<!tpu.dma_semaphore, #tpu.memory_space<semaphore_mem>>) src(%dma_wait3A_20 : memref<5120x128xf32, #tpu.memory_space<hbm>>) dst(%dma_wait3A_17 : memref<80x128xf32, #tpu.memory_space<vmem>>)
    %dma_wait3A_21 = arith.constant 80 : i32
    %dma_wait3A_22 = arith.constant 0 : i32
    %dma_wait3A_23 = tpu.memref_slice %arg7[%dma_wait3A_21, %dma_wait3A_22] : memref<160x128xf32, #tpu.memory_space<vmem>> -> memref<80x128xf32, #tpu.memory_space<vmem>>
    %dma_wait3A_24 = arith.constant 0 : i32
    %dma_wait3A_25 = arith.constant 0 : i32
    %dma_wait3A_26 = tpu.memref_slice %arg2[%dma_wait3A_24, %dma_wait3A_25] : memref<5120x128xf32, #tpu.memory_space<hbm>> -> memref<5120x128xf32, #tpu.memory_space<hbm>>
    tpu.wait_indirect_dma semaphore(%arg8 : memref<!tpu.dma_semaphore, #tpu.memory_space<semaphore_mem>>) src(%dma_wait3A_26 : memref<5120x128xf32, #tpu.memory_space<hbm>>) dst(%dma_wait3A_23 : memref<80x128xf32, #tpu.memory_space<vmem>>)
    "tpu.region"() ({
      %run_scoped3A = tpu.sem_alloc : memref<!tpu.dma_semaphore, #tpu.memory_space<semaphore_mem>>
      %dma_start3A_27 = arith.constant 0 : i32
      %dma_start3A_28 = tpu.memref_slice %arg4[%mul3A_2, %dma_start3A_27] : memref<5120x128xf32, #tpu.memory_space<hbm>> -> memref<160x128xf32, #tpu.memory_space<hbm>>
      %dma_start3A_29 = arith.constant 0 : i32
      %dma_start3A_30 = tpu.memref_slice %arg4[%mul3A_2, %dma_start3A_29] : memref<5120x128xf32, #tpu.memory_space<hbm>> -> memref<160x128xf32, #tpu.memory_space<hbm>>
      tpu.enqueue_dma source(%arg7 : memref<160x128xf32, #tpu.memory_space<vmem>>) target(%dma_start3A_30 : memref<160x128xf32, #tpu.memory_space<hbm>>) target_semaphore(%run_scoped3A : memref<!tpu.dma_semaphore, #tpu.memory_space<semaphore_mem>>)
      %dma_wait3A_31 = arith.constant 0 : i32
      %dma_wait3A_32 = tpu.memref_slice %arg4[%mul3A_2, %dma_wait3A_31] : memref<5120x128xf32, #tpu.memory_space<hbm>> -> memref<160x128xf32, #tpu.memory_space<hbm>>
      %dma_wait3A_33 = arith.constant 0 : i32
      %dma_wait3A_34 = tpu.memref_slice %arg4[%mul3A_2, %dma_wait3A_33] : memref<5120x128xf32, #tpu.memory_space<hbm>> -> memref<160x128xf32, #tpu.memory_space<hbm>>
      tpu.wait_dma2 semaphore(%run_scoped3A : memref<!tpu.dma_semaphore, #tpu.memory_space<semaphore_mem>>) src(%arg7 : memref<160x128xf32, #tpu.memory_space<vmem>>) dst(%dma_wait3A_34 : memref<160x128xf32, #tpu.memory_space<hbm>>)
      tpu.yield
    }) : () -> ()
    return
  }
}

module attributes {stable_mosaic.version = 14 : i64} {
  func.func @_nms_body(%arg0: memref<5120x1xf32, #tpu.memory_space<vmem>>, %arg1: memref<5120x1xf32, #tpu.memory_space<vmem>>, %arg2: memref<5120x1xf32, #tpu.memory_space<vmem>>, %arg3: memref<5120x1xf32, #tpu.memory_space<vmem>>, %arg4: memref<4x5504xf32, #tpu.memory_space<vmem>>, %arg5: memref<1x5120xf32, #tpu.memory_space<vmem>>, %arg6: memref<5x5120xf32, #tpu.memory_space<vmem>>, %arg7: memref<1x5504xf32, #tpu.memory_space<vmem>>, %arg8: memref<1x5504xf32, #tpu.memory_space<vmem>>) attributes {dimension_semantics = [], scalar_prefetch = 0 : i64, scratch_operands = 2 : i64, tpu.core_type = #tpu.core_type<tc>} {
    %broadcast_in_dim3A = arith.constant 1.000000e+00 : f32
    %broadcast_in_dim3A_0 = vector.broadcast %broadcast_in_dim3A : f32 to vector<1x5504xf32>
    %swap3A = arith.constant 0 : index
    %swap3A_1 = arith.constant 0 : index
    %swap3A_2 = vector.load %arg7[%swap3A, %swap3A_1] : memref<1x5504xf32, #tpu.memory_space<vmem>>, vector<1x5504xf32>
    tpu.vector_store %arg7[%swap3A, %swap3A_1], %broadcast_in_dim3A_0 {strides = array<i32>} : memref<1x5504xf32, #tpu.memory_space<vmem>>, vector<1x5504xf32>,
    %get3A = arith.constant 2 : index
    %get3A_3 = arith.constant 0 : index
    %get3A_4 = vector.load %arg4[%get3A, %get3A_3] : memref<4x5504xf32, #tpu.memory_space<vmem>>, vector<1x5504xf32>
    %get3A_5 = arith.constant 0 : index
    %get3A_6 = arith.constant 0 : index
    %get3A_7 = vector.load %arg4[%get3A_5, %get3A_6] : memref<4x5504xf32, #tpu.memory_space<vmem>>, vector<1x5504xf32>
    %sub3A = arith.subf %get3A_4, %get3A_7 : vector<1x5504xf32>
    %max3A = arith.constant 0.000000e+00 : f32
    %max3A_8 = vector.broadcast %max3A : f32 to vector<1x5504xf32>
    %max3A_9 = arith.maximumf %sub3A, %max3A_8 : vector<1x5504xf32>
    %get3A_10 = arith.constant 3 : index
    %get3A_11 = arith.constant 0 : index
    %get3A_12 = vector.load %arg4[%get3A_10, %get3A_11] : memref<4x5504xf32, #tpu.memory_space<vmem>>, vector<1x5504xf32>
    %get3A_13 = arith.constant 1 : index
    %get3A_14 = arith.constant 0 : index
    %get3A_15 = vector.load %arg4[%get3A_13, %get3A_14] : memref<4x5504xf32, #tpu.memory_space<vmem>>, vector<1x5504xf32>
    %sub3A_16 = arith.subf %get3A_12, %get3A_15 : vector<1x5504xf32>
    %max3A_17 = arith.constant 0.000000e+00 : f32
    %max3A_18 = vector.broadcast %max3A_17 : f32 to vector<1x5504xf32>
    %max3A_19 = arith.maximumf %sub3A_16, %max3A_18 : vector<1x5504xf32>
    %mul3A = arith.mulf %max3A_9, %max3A_19 : vector<1x5504xf32>
    %swap3A_20 = arith.constant 0 : index
    %swap3A_21 = arith.constant 0 : index
    %swap3A_22 = vector.load %arg8[%swap3A_20, %swap3A_21] : memref<1x5504xf32, #tpu.memory_space<vmem>>, vector<1x5504xf32>
    tpu.vector_store %arg8[%swap3A_20, %swap3A_21], %mul3A {strides = array<i32>} : memref<1x5504xf32, #tpu.memory_space<vmem>>, vector<1x5504xf32>,
    %iota3A = tpu.iota {dimensions = array<i32: 0>} : vector<128x128xi32>
    %iota3A_23 = tpu.iota {dimensions = array<i32: 1>} : vector<128x128xi32>
    %gt3A = arith.cmpi sgt, %iota3A_23, %iota3A : vector<128x128xi32>
    %convert_element_type3A = arith.extui %gt3A : vector<128x128xi1> to vector<128x128xi32>
    %convert_element_type3A_24 = arith.sitofp %convert_element_type3A : vector<128x128xi32> to vector<128x128xf32>
    %eq3A = arith.cmpi eq, %iota3A, %iota3A_23 : vector<128x128xi32>
    %convert_element_type3A_25 = arith.extui %eq3A : vector<128x128xi1> to vector<128x128xi32>
    %convert_element_type3A_26 = arith.sitofp %convert_element_type3A_25 : vector<128x128xi32> to vector<128x128xf32>
    %scan3A = arith.constant 0 : i32
    %scan3A_27 = arith.constant 40 : i32
    %scan3A_28 = arith.addi %scan3A, %scan3A_27 : i32
    %scan3A_29 = arith.constant 1 : i32
    scf.for %scan3A_52 = %scan3A to %scan3A_28 step %scan3A_29  : i32 {
      %mul3A_53 = arith.constant 128 : i32
      %mul3A_54 = arith.muli %scan3A_52, %mul3A_53 : i32
      %multiple_of3A = tpu.assume_multiple %mul3A_54, 128 : i32
      %get3A_55 = arith.index_cast %multiple_of3A : i32 to index
      %get3A_56 = arith.constant 0 : index
      %get3A_57 = vector.load %arg0[%get3A_55, %get3A_56] : memref<5120x1xf32, #tpu.memory_space<vmem>>, vector<128x1xf32>
      %get3A_58 = arith.index_cast %multiple_of3A : i32 to index
      %get3A_59 = arith.constant 0 : index
      %get3A_60 = vector.load %arg1[%get3A_58, %get3A_59] : memref<5120x1xf32, #tpu.memory_space<vmem>>, vector<128x1xf32>
      %get3A_61 = arith.index_cast %multiple_of3A : i32 to index
      %get3A_62 = arith.constant 0 : index
      %get3A_63 = vector.load %arg2[%get3A_61, %get3A_62] : memref<5120x1xf32, #tpu.memory_space<vmem>>, vector<128x1xf32>
      %get3A_64 = arith.index_cast %multiple_of3A : i32 to index
      %get3A_65 = arith.constant 0 : index
      %get3A_66 = vector.load %arg3[%get3A_64, %get3A_65] : memref<5120x1xf32, #tpu.memory_space<vmem>>, vector<128x1xf32>
      %sub3A_67 = arith.subf %get3A_63, %get3A_57 : vector<128x1xf32>
      %max3A_68 = arith.constant 0.000000e+00 : f32
      %max3A_69 = vector.broadcast %max3A_68 : f32 to vector<128x1xf32>
      %max3A_70 = arith.maximumf %sub3A_67, %max3A_69 : vector<128x1xf32>
      %sub3A_71 = arith.subf %get3A_66, %get3A_60 : vector<128x1xf32>
      %max3A_72 = arith.constant 0.000000e+00 : f32
      %max3A_73 = vector.broadcast %max3A_72 : f32 to vector<128x1xf32>
      %max3A_74 = arith.maximumf %sub3A_71, %max3A_73 : vector<128x1xf32>
      %mul3A_75 = arith.mulf %max3A_70, %max3A_74 : vector<128x1xf32>
      %get3A_76 = arith.constant 0 : index
      %get3A_77 = arith.index_cast %multiple_of3A : i32 to index
      %get3A_78 = vector.load %arg7[%get3A_76, %get3A_77] : memref<1x5504xf32, #tpu.memory_space<vmem>>, vector<1x128xf32>
      %get3A_79 = arith.constant 0 : index
      %get3A_80 = arith.index_cast %multiple_of3A : i32 to index
      %get3A_81 = vector.load %arg4[%get3A_79, %get3A_80] : memref<4x5504xf32, #tpu.memory_space<vmem>>, vector<1x128xf32>
      %get3A_82 = arith.constant 1 : index
      %get3A_83 = arith.index_cast %multiple_of3A : i32 to index
      %get3A_84 = vector.load %arg4[%get3A_82, %get3A_83] : memref<4x5504xf32, #tpu.memory_space<vmem>>, vector<1x128xf32>
      %get3A_85 = arith.constant 2 : index
      %get3A_86 = arith.index_cast %multiple_of3A : i32 to index
      %get3A_87 = vector.load %arg4[%get3A_85, %get3A_86] : memref<4x5504xf32, #tpu.memory_space<vmem>>, vector<1x128xf32>
      %get3A_88 = arith.constant 3 : index
      %get3A_89 = arith.index_cast %multiple_of3A : i32 to index
      %get3A_90 = vector.load %arg4[%get3A_88, %get3A_89] : memref<4x5504xf32, #tpu.memory_space<vmem>>, vector<1x128xf32>
      %get3A_91 = arith.constant 0 : index
      %get3A_92 = arith.index_cast %multiple_of3A : i32 to index
      %get3A_93 = vector.load %arg8[%get3A_91, %get3A_92] : memref<1x5504xf32, #tpu.memory_space<vmem>>, vector<1x128xf32>
      %min3A = vector.broadcast %get3A_63 : vector<128x1xf32> to vector<128x128xf32>
      %min3A_94 = vector.broadcast %get3A_87 : vector<1x128xf32> to vector<128x128xf32>
      %min3A_95 = arith.minimumf %min3A, %min3A_94 : vector<128x128xf32>
      %max3A_96 = vector.broadcast %get3A_57 : vector<128x1xf32> to vector<128x128xf32>
      %max3A_97 = vector.broadcast %get3A_81 : vector<1x128xf32> to vector<128x128xf32>
      %max3A_98 = arith.maximumf %max3A_96, %max3A_97 : vector<128x128xf32>
      %sub3A_99 = arith.subf %min3A_95, %max3A_98 : vector<128x128xf32>
      %max3A_100 = arith.constant 0.000000e+00 : f32
      %max3A_101 = vector.broadcast %max3A_100 : f32 to vector<128x128xf32>
      %max3A_102 = arith.maximumf %sub3A_99, %max3A_101 : vector<128x128xf32>
      %min3A_103 = vector.broadcast %get3A_66 : vector<128x1xf32> to vector<128x128xf32>
      %min3A_104 = vector.broadcast %get3A_90 : vector<1x128xf32> to vector<128x128xf32>
      %min3A_105 = arith.minimumf %min3A_103, %min3A_104 : vector<128x128xf32>
      %max3A_106 = vector.broadcast %get3A_60 : vector<128x1xf32> to vector<128x128xf32>
      %max3A_107 = vector.broadcast %get3A_84 : vector<1x128xf32> to vector<128x128xf32>
      %max3A_108 = arith.maximumf %max3A_106, %max3A_107 : vector<128x128xf32>
      %sub3A_109 = arith.subf %min3A_105, %max3A_108 : vector<128x128xf32>
      %max3A_110 = arith.constant 0.000000e+00 : f32
      %max3A_111 = vector.broadcast %max3A_110 : f32 to vector<128x128xf32>
      %max3A_112 = arith.maximumf %sub3A_109, %max3A_111 : vector<128x128xf32>
      %mul3A_113 = arith.mulf %max3A_102, %max3A_112 : vector<128x128xf32>
      %add3A = vector.broadcast %mul3A_75 : vector<128x1xf32> to vector<128x128xf32>
      %add3A_114 = vector.broadcast %get3A_93 : vector<1x128xf32> to vector<128x128xf32>
      %add3A_115 = arith.addf %add3A, %add3A_114 : vector<128x128xf32>
      %sub3A_116 = arith.subf %add3A_115, %mul3A_113 : vector<128x128xf32>
      %max3A_117 = arith.constant 9.99999971E-10 : f32
      %max3A_118 = vector.broadcast %max3A_117 : f32 to vector<128x128xf32>
      %max3A_119 = arith.maximumf %sub3A_116, %max3A_118 : vector<128x128xf32>
      %div3A = arith.divf %mul3A_113, %max3A_119 : vector<128x128xf32>
      %gt3A_120 = arith.constant 6.000000e-01 : f32
      %gt3A_121 = vector.broadcast %gt3A_120 : f32 to vector<128x128xf32>
      %gt3A_122 = arith.cmpf ogt, %div3A, %gt3A_121 : vector<128x128xf32>
      %convert_element_type3A_123 = arith.extui %gt3A_122 : vector<128x128xi1> to vector<128x128xi32>
      %convert_element_type3A_124 = arith.sitofp %convert_element_type3A_123 : vector<128x128xi32> to vector<128x128xf32>
      %mul3A_125 = arith.mulf %convert_element_type3A_124, %convert_element_type3A_24 : vector<128x128xf32>
      %mul3A_126 = vector.broadcast %get3A_78 : vector<1x128xf32> to vector<128x128xf32>
      %mul3A_127 = arith.mulf %convert_element_type3A_26, %mul3A_126 : vector<128x128xf32>
      %reduce_sum3A = arith.constant dense<0.000000e+00> : vector<128xf32>
      %reduce_sum3A_128 = vector.multi_reduction <add>, %mul3A_127, %reduce_sum3A [1] : vector<128x128xf32> to vector<128xf32>
      %broadcast_in_dim3A_129 = vector.shape_cast %reduce_sum3A_128 : vector<128xf32> to vector<128x1xf32>
      %mul3A_130 = vector.broadcast %broadcast_in_dim3A_129 : vector<128x1xf32> to vector<128x128xf32>
      %mul3A_131 = arith.mulf %mul3A_125, %mul3A_130 : vector<128x128xf32>
      %while3A = arith.constant 1.000000e+00 : f32
      %while3A_132:2 = scf.while (%while3A_181 = %mul3A_131, %while3A_182 = %while3A) : (vector<128x128xf32>, f32) -> (vector<128x128xf32>, f32) {
        %gt3A_183 = arith.constant 0.000000e+00 : f32
        %gt3A_184 = arith.cmpf ogt, %while3A_182, %gt3A_183 : f32
        scf.condition(%gt3A_184) %while3A_181, %while3A_182 : vector<128x128xf32>, f32
      } do {
      ^bb0(%while3A_181: vector<128x128xf32>, %while3A_182: f32):
        %reduce_max3A_183 = arith.constant dense<0xFF800000> : vector<128xf32>
        %reduce_max3A_184 = vector.multi_reduction <maximumf>, %while3A_181, %reduce_max3A_183 [0] : vector<128x128xf32> to vector<128xf32>
        %broadcast_in_dim3A_185 = vector.shape_cast %reduce_max3A_184 : vector<128xf32> to vector<1x128xf32>
        %sub3A_186 = arith.constant 1.000000e+00 : f32
        %sub3A_187 = vector.broadcast %sub3A_186 : f32 to vector<1x128xf32>
        %sub3A_188 = arith.subf %sub3A_187, %broadcast_in_dim3A_185 : vector<1x128xf32>
        %mul3A_189 = arith.mulf %get3A_78, %sub3A_188 : vector<1x128xf32>
        %mul3A_190 = vector.broadcast %mul3A_189 : vector<1x128xf32> to vector<128x128xf32>
        %mul3A_191 = arith.mulf %convert_element_type3A_26, %mul3A_190 : vector<128x128xf32>
        %reduce_sum3A_192 = arith.constant dense<0.000000e+00> : vector<128xf32>
        %reduce_sum3A_193 = vector.multi_reduction <add>, %mul3A_191, %reduce_sum3A_192 [1] : vector<128x128xf32> to vector<128xf32>
        %broadcast_in_dim3A_194 = vector.shape_cast %reduce_sum3A_193 : vector<128xf32> to vector<128x1xf32>
        %mul3A_195 = vector.broadcast %broadcast_in_dim3A_194 : vector<128x1xf32> to vector<128x128xf32>
        %mul3A_196 = arith.mulf %while3A_181, %mul3A_195 : vector<128x128xf32>
        %reduce_max3A_197 = arith.constant dense<0xFF800000> : vector<128xf32>
        %reduce_max3A_198 = vector.multi_reduction <maximumf>, %mul3A_196, %reduce_max3A_197 [0] : vector<128x128xf32> to vector<128xf32>
        %broadcast_in_dim3A_199 = vector.shape_cast %reduce_max3A_198 : vector<128xf32> to vector<1x128xf32>
        %mul3A_200 = vector.broadcast %broadcast_in_dim3A_199 : vector<1x128xf32> to vector<128x128xf32>
        %mul3A_201 = arith.mulf %convert_element_type3A_26, %mul3A_200 : vector<128x128xf32>
        %reduce_sum3A_202 = arith.constant dense<0.000000e+00> : vector<128xf32>
        %reduce_sum3A_203 = vector.multi_reduction <add>, %mul3A_201, %reduce_sum3A_202 [1] : vector<128x128xf32> to vector<128xf32>
        %broadcast_in_dim3A_204 = vector.shape_cast %reduce_sum3A_203 : vector<128xf32> to vector<128x1xf32>
        %sub3A_205 = arith.constant 1.000000e+00 : f32
        %sub3A_206 = vector.broadcast %sub3A_205 : f32 to vector<128x1xf32>
        %sub3A_207 = arith.subf %sub3A_206, %broadcast_in_dim3A_204 : vector<128x1xf32>
        %mul3A_208 = vector.broadcast %sub3A_207 : vector<128x1xf32> to vector<128x128xf32>
        %mul3A_209 = arith.mulf %while3A_181, %mul3A_208 : vector<128x128xf32>
        %sub3A_210 = arith.subf %mul3A_209, %while3A_181 : vector<128x128xf32>
        %abs3A = math.absf %sub3A_210 : vector<128x128xf32>
        %reduce_sum3A_211 = vector.shape_cast %abs3A : vector<128x128xf32> to vector<1x128x128xf32>
        %reduce_sum3A_212 = arith.constant dense<0.000000e+00> : vector<1xf32>
        %reduce_sum3A_213 = vector.multi_reduction <add>, %reduce_sum3A_211, %reduce_sum3A_212 [1, 2] : vector<1x128x128xf32> to vector<1xf32>
        %reduce_sum3A_214 = vector.shape_cast %reduce_sum3A_213 : vector<1xf32> to vector<1x1x1xf32>
        %reduce_sum3A_215 = vector.extract %reduce_sum3A_214[0, 0, 0] : f32 from vector<1x1x1xf32>
        scf.yield %mul3A_209, %reduce_sum3A_215 : vector<128x128xf32>, f32
      }
      %reduce_max3A = arith.constant dense<0xFF800000> : vector<128xf32>
      %reduce_max3A_133 = vector.multi_reduction <maximumf>, %while3A_132#0, %reduce_max3A [0] : vector<128x128xf32> to vector<128xf32>
      %broadcast_in_dim3A_134 = vector.shape_cast %reduce_max3A_133 : vector<128xf32> to vector<1x128xf32>
      %sub3A_135 = arith.constant 1.000000e+00 : f32
      %sub3A_136 = vector.broadcast %sub3A_135 : f32 to vector<1x128xf32>
      %sub3A_137 = arith.subf %sub3A_136, %broadcast_in_dim3A_134 : vector<1x128xf32>
      %mul3A_138 = arith.mulf %get3A_78, %sub3A_137 : vector<1x128xf32>
      %swap3A_139 = arith.constant 0 : index
      %swap3A_140 = arith.index_cast %multiple_of3A : i32 to index
      %swap3A_141 = vector.load %arg7[%swap3A_139, %swap3A_140] : memref<1x5504xf32, #tpu.memory_space<vmem>>, vector<1x128xf32>
      tpu.vector_store %arg7[%swap3A_139, %swap3A_140], %mul3A_138 {strides = array<i32>} : memref<1x5504xf32, #tpu.memory_space<vmem>>, vector<1x128xf32>,
      %mul3A_142 = vector.broadcast %mul3A_138 : vector<1x128xf32> to vector<128x128xf32>
      %mul3A_143 = arith.mulf %convert_element_type3A_26, %mul3A_142 : vector<128x128xf32>
      %reduce_sum3A_144 = arith.constant dense<0.000000e+00> : vector<128xf32>
      %reduce_sum3A_145 = vector.multi_reduction <add>, %mul3A_143, %reduce_sum3A_144 [1] : vector<128x128xf32> to vector<128xf32>
      %broadcast_in_dim3A_146 = vector.shape_cast %reduce_sum3A_145 : vector<128xf32> to vector<128x1xf32>
      %sub3A_147 = arith.constant 39 : i32
      %sub3A_148 = arith.subi %sub3A_147, %scan3A_52 : i32
      %add3A_149 = arith.constant 4 : i32
      %add3A_150 = arith.addi %sub3A_148, %add3A_149 : i32
      %sub3A_151 = arith.constant 1 : i32
      %sub3A_152 = arith.subi %add3A_150, %sub3A_151 : i32
      %jit3A = arith.constant 4 : i32
      %div3A_153 = arith.divsi %sub3A_152, %jit3A : i32
      %sign3A = arith.constant 0 : i32
      %sign3A_154 = arith.cmpi sgt, %sub3A_152, %sign3A : i32
      %sign3A_155 = arith.extui %sign3A_154 : i1 to i32
      %sign3A_156 = arith.constant 0 : i32
      %sign3A_157 = arith.cmpi slt, %sub3A_152, %sign3A_156 : i32
      %sign3A_158 = arith.extui %sign3A_157 : i1 to i32
      %sign3A_159 = arith.subi %sign3A_155, %sign3A_158 : i32
      %sign3A_160 = arith.constant 0 : i32
      %sign3A_161 = arith.cmpi sgt, %jit3A, %sign3A_160 : i32
      %sign3A_162 = arith.extui %sign3A_161 : i1 to i32
      %sign3A_163 = arith.constant 0 : i32
      %sign3A_164 = arith.cmpi slt, %jit3A, %sign3A_163 : i32
      %sign3A_165 = arith.extui %sign3A_164 : i1 to i32
      %sign3A_166 = arith.subi %sign3A_162, %sign3A_165 : i32
      %ne3A = arith.cmpi ne, %sign3A_159, %sign3A_166 : i32
      %rem3A = arith.remsi %sub3A_152, %jit3A : i32
      %ne3A_167 = arith.constant 0 : i32
      %ne3A_168 = arith.cmpi ne, %rem3A, %ne3A_167 : i32
      %and3A = arith.andi %ne3A, %ne3A_168 : i1
      %sub3A_169 = arith.constant 1 : i32
      %sub3A_170 = arith.subi %div3A_153, %sub3A_169 : i32
      %select_n3A = arith.select %and3A, %sub3A_170, %div3A_153 : i32
      %while3A_171 = arith.constant 0 : i32
      %while3A_172 = arith.constant 0 : i32
      %while3A_173 = arith.subi %select_n3A, %while3A_172 : i32
      %while3A_174 = arith.addi %while3A_172, %while3A_173 : i32
      %while3A_175 = arith.constant 1 : i32
      %while3A_176 = arith.divsi %while3A_173, %while3A_175 : i32
      %while3A_177 = arith.muli %while3A_176, %while3A_175 : i32
      %while3A_178 = arith.addi %while3A_172, %while3A_177 : i32
      %while3A_179 = arith.constant 1 : i32
      scf.for %while3A_181 = %while3A_172 to %while3A_178 step %while3A_179  : i32 {
        %add3A_182 = arith.constant 1 : i32
        %add3A_183 = arith.addi %scan3A_52, %add3A_182 : i32
        %mul3A_184 = arith.constant 128 : i32
        %mul3A_185 = arith.muli %add3A_183, %mul3A_184 : i32
        %mul3A_186 = arith.constant 512 : i32
        %mul3A_187 = arith.muli %while3A_181, %mul3A_186 : i32
        %add3A_188 = arith.addi %mul3A_185, %mul3A_187 : i32
        %multiple_of3A_189 = tpu.assume_multiple %add3A_188, 128 : i32
        %get3A_190 = arith.constant 0 : index
        %get3A_191 = arith.index_cast %multiple_of3A_189 : i32 to index
        %get3A_192 = vector.load %arg4[%get3A_190, %get3A_191] : memref<4x5504xf32, #tpu.memory_space<vmem>>, vector<1x512xf32>
        %get3A_193 = arith.constant 1 : index
        %get3A_194 = arith.index_cast %multiple_of3A_189 : i32 to index
        %get3A_195 = vector.load %arg4[%get3A_193, %get3A_194] : memref<4x5504xf32, #tpu.memory_space<vmem>>, vector<1x512xf32>
        %get3A_196 = arith.constant 2 : index
        %get3A_197 = arith.index_cast %multiple_of3A_189 : i32 to index
        %get3A_198 = vector.load %arg4[%get3A_196, %get3A_197] : memref<4x5504xf32, #tpu.memory_space<vmem>>, vector<1x512xf32>
        %get3A_199 = arith.constant 3 : index
        %get3A_200 = arith.index_cast %multiple_of3A_189 : i32 to index
        %get3A_201 = vector.load %arg4[%get3A_199, %get3A_200] : memref<4x5504xf32, #tpu.memory_space<vmem>>, vector<1x512xf32>
        %get3A_202 = arith.constant 0 : index
        %get3A_203 = arith.index_cast %multiple_of3A_189 : i32 to index
        %get3A_204 = vector.load %arg8[%get3A_202, %get3A_203] : memref<1x5504xf32, #tpu.memory_space<vmem>>, vector<1x512xf32>
        %min3A_205 = vector.broadcast %get3A_63 : vector<128x1xf32> to vector<128x512xf32>
        %min3A_206 = vector.broadcast %get3A_198 : vector<1x512xf32> to vector<128x512xf32>
        %min3A_207 = arith.minimumf %min3A_205, %min3A_206 : vector<128x512xf32>
        %max3A_208 = vector.broadcast %get3A_57 : vector<128x1xf32> to vector<128x512xf32>
        %max3A_209 = vector.broadcast %get3A_192 : vector<1x512xf32> to vector<128x512xf32>
        %max3A_210 = arith.maximumf %max3A_208, %max3A_209 : vector<128x512xf32>
        %sub3A_211 = arith.subf %min3A_207, %max3A_210 : vector<128x512xf32>
        %max3A_212 = arith.constant 0.000000e+00 : f32
        %max3A_213 = vector.broadcast %max3A_212 : f32 to vector<128x512xf32>
        %max3A_214 = arith.maximumf %sub3A_211, %max3A_213 : vector<128x512xf32>
        %min3A_215 = vector.broadcast %get3A_66 : vector<128x1xf32> to vector<128x512xf32>
        %min3A_216 = vector.broadcast %get3A_201 : vector<1x512xf32> to vector<128x512xf32>
        %min3A_217 = arith.minimumf %min3A_215, %min3A_216 : vector<128x512xf32>
        %max3A_218 = vector.broadcast %get3A_60 : vector<128x1xf32> to vector<128x512xf32>
        %max3A_219 = vector.broadcast %get3A_195 : vector<1x512xf32> to vector<128x512xf32>
        %max3A_220 = arith.maximumf %max3A_218, %max3A_219 : vector<128x512xf32>
        %sub3A_221 = arith.subf %min3A_217, %max3A_220 : vector<128x512xf32>
        %max3A_222 = arith.constant 0.000000e+00 : f32
        %max3A_223 = vector.broadcast %max3A_222 : f32 to vector<128x512xf32>
        %max3A_224 = arith.maximumf %sub3A_221, %max3A_223 : vector<128x512xf32>
        %mul3A_225 = arith.mulf %max3A_214, %max3A_224 : vector<128x512xf32>
        %add3A_226 = vector.broadcast %mul3A_75 : vector<128x1xf32> to vector<128x512xf32>
        %add3A_227 = vector.broadcast %get3A_204 : vector<1x512xf32> to vector<128x512xf32>
        %add3A_228 = arith.addf %add3A_226, %add3A_227 : vector<128x512xf32>
        %sub3A_229 = arith.subf %add3A_228, %mul3A_225 : vector<128x512xf32>
        %max3A_230 = arith.constant 9.99999971E-10 : f32
        %max3A_231 = vector.broadcast %max3A_230 : f32 to vector<128x512xf32>
        %max3A_232 = arith.maximumf %sub3A_229, %max3A_231 : vector<128x512xf32>
        %div3A_233 = arith.divf %mul3A_225, %max3A_232 : vector<128x512xf32>
        %gt3A_234 = arith.constant 6.000000e-01 : f32
        %gt3A_235 = vector.broadcast %gt3A_234 : f32 to vector<128x512xf32>
        %gt3A_236 = arith.cmpf ogt, %div3A_233, %gt3A_235 : vector<128x512xf32>
        %convert_element_type3A_237 = arith.extui %gt3A_236 : vector<128x512xi1> to vector<128x512xi32>
        %convert_element_type3A_238 = arith.sitofp %convert_element_type3A_237 : vector<128x512xi32> to vector<128x512xf32>
        %mul3A_239 = vector.broadcast %broadcast_in_dim3A_146 : vector<128x1xf32> to vector<128x512xf32>
        %mul3A_240 = arith.mulf %convert_element_type3A_238, %mul3A_239 : vector<128x512xf32>
        %reduce_max3A_241 = arith.constant dense<0xFF800000> : vector<512xf32>
        %reduce_max3A_242 = vector.multi_reduction <maximumf>, %mul3A_240, %reduce_max3A_241 [0] : vector<128x512xf32> to vector<512xf32>
        %broadcast_in_dim3A_243 = vector.shape_cast %reduce_max3A_242 : vector<512xf32> to vector<1x512xf32>
        %get3A_244 = arith.constant 0 : index
        %get3A_245 = arith.index_cast %multiple_of3A_189 : i32 to index
        %get3A_246 = vector.load %arg7[%get3A_244, %get3A_245] : memref<1x5504xf32, #tpu.memory_space<vmem>>, vector<1x512xf32>
        %sub3A_247 = arith.constant 1.000000e+00 : f32
        %sub3A_248 = vector.broadcast %sub3A_247 : f32 to vector<1x512xf32>
        %sub3A_249 = arith.subf %sub3A_248, %broadcast_in_dim3A_243 : vector<1x512xf32>
        %mul3A_250 = arith.mulf %get3A_246, %sub3A_249 : vector<1x512xf32>
        %swap3A_251 = arith.constant 0 : index
        %swap3A_252 = arith.index_cast %multiple_of3A_189 : i32 to index
        %swap3A_253 = vector.load %arg7[%swap3A_251, %swap3A_252] : memref<1x5504xf32, #tpu.memory_space<vmem>>, vector<1x512xf32>
        tpu.vector_store %arg7[%swap3A_251, %swap3A_252], %mul3A_250 {strides = array<i32>} : memref<1x5504xf32, #tpu.memory_space<vmem>>, vector<1x512xf32>,
      }
      %while3A_180 = arith.constant 1 : i32
      scf.for %while3A_181 = %while3A_178 to %while3A_174 step %while3A_180  : i32 {
        %add3A_182 = arith.constant 1 : i32
        %add3A_183 = arith.addi %scan3A_52, %add3A_182 : i32
        %mul3A_184 = arith.constant 128 : i32
        %mul3A_185 = arith.muli %add3A_183, %mul3A_184 : i32
        %mul3A_186 = arith.constant 512 : i32
        %mul3A_187 = arith.muli %while3A_181, %mul3A_186 : i32
        %add3A_188 = arith.addi %mul3A_185, %mul3A_187 : i32
        %multiple_of3A_189 = tpu.assume_multiple %add3A_188, 128 : i32
        %get3A_190 = arith.constant 0 : index
        %get3A_191 = arith.index_cast %multiple_of3A_189 : i32 to index
        %get3A_192 = vector.load %arg4[%get3A_190, %get3A_191] : memref<4x5504xf32, #tpu.memory_space<vmem>>, vector<1x512xf32>
        %get3A_193 = arith.constant 1 : index
        %get3A_194 = arith.index_cast %multiple_of3A_189 : i32 to index
        %get3A_195 = vector.load %arg4[%get3A_193, %get3A_194] : memref<4x5504xf32, #tpu.memory_space<vmem>>, vector<1x512xf32>
        %get3A_196 = arith.constant 2 : index
        %get3A_197 = arith.index_cast %multiple_of3A_189 : i32 to index
        %get3A_198 = vector.load %arg4[%get3A_196, %get3A_197] : memref<4x5504xf32, #tpu.memory_space<vmem>>, vector<1x512xf32>
        %get3A_199 = arith.constant 3 : index
        %get3A_200 = arith.index_cast %multiple_of3A_189 : i32 to index
        %get3A_201 = vector.load %arg4[%get3A_199, %get3A_200] : memref<4x5504xf32, #tpu.memory_space<vmem>>, vector<1x512xf32>
        %get3A_202 = arith.constant 0 : index
        %get3A_203 = arith.index_cast %multiple_of3A_189 : i32 to index
        %get3A_204 = vector.load %arg8[%get3A_202, %get3A_203] : memref<1x5504xf32, #tpu.memory_space<vmem>>, vector<1x512xf32>
        %min3A_205 = vector.broadcast %get3A_63 : vector<128x1xf32> to vector<128x512xf32>
        %min3A_206 = vector.broadcast %get3A_198 : vector<1x512xf32> to vector<128x512xf32>
        %min3A_207 = arith.minimumf %min3A_205, %min3A_206 : vector<128x512xf32>
        %max3A_208 = vector.broadcast %get3A_57 : vector<128x1xf32> to vector<128x512xf32>
        %max3A_209 = vector.broadcast %get3A_192 : vector<1x512xf32> to vector<128x512xf32>
        %max3A_210 = arith.maximumf %max3A_208, %max3A_209 : vector<128x512xf32>
        %sub3A_211 = arith.subf %min3A_207, %max3A_210 : vector<128x512xf32>
        %max3A_212 = arith.constant 0.000000e+00 : f32
        %max3A_213 = vector.broadcast %max3A_212 : f32 to vector<128x512xf32>
        %max3A_214 = arith.maximumf %sub3A_211, %max3A_213 : vector<128x512xf32>
        %min3A_215 = vector.broadcast %get3A_66 : vector<128x1xf32> to vector<128x512xf32>
        %min3A_216 = vector.broadcast %get3A_201 : vector<1x512xf32> to vector<128x512xf32>
        %min3A_217 = arith.minimumf %min3A_215, %min3A_216 : vector<128x512xf32>
        %max3A_218 = vector.broadcast %get3A_60 : vector<128x1xf32> to vector<128x512xf32>
        %max3A_219 = vector.broadcast %get3A_195 : vector<1x512xf32> to vector<128x512xf32>
        %max3A_220 = arith.maximumf %max3A_218, %max3A_219 : vector<128x512xf32>
        %sub3A_221 = arith.subf %min3A_217, %max3A_220 : vector<128x512xf32>
        %max3A_222 = arith.constant 0.000000e+00 : f32
        %max3A_223 = vector.broadcast %max3A_222 : f32 to vector<128x512xf32>
        %max3A_224 = arith.maximumf %sub3A_221, %max3A_223 : vector<128x512xf32>
        %mul3A_225 = arith.mulf %max3A_214, %max3A_224 : vector<128x512xf32>
        %add3A_226 = vector.broadcast %mul3A_75 : vector<128x1xf32> to vector<128x512xf32>
        %add3A_227 = vector.broadcast %get3A_204 : vector<1x512xf32> to vector<128x512xf32>
        %add3A_228 = arith.addf %add3A_226, %add3A_227 : vector<128x512xf32>
        %sub3A_229 = arith.subf %add3A_228, %mul3A_225 : vector<128x512xf32>
        %max3A_230 = arith.constant 9.99999971E-10 : f32
        %max3A_231 = vector.broadcast %max3A_230 : f32 to vector<128x512xf32>
        %max3A_232 = arith.maximumf %sub3A_229, %max3A_231 : vector<128x512xf32>
        %div3A_233 = arith.divf %mul3A_225, %max3A_232 : vector<128x512xf32>
        %gt3A_234 = arith.constant 6.000000e-01 : f32
        %gt3A_235 = vector.broadcast %gt3A_234 : f32 to vector<128x512xf32>
        %gt3A_236 = arith.cmpf ogt, %div3A_233, %gt3A_235 : vector<128x512xf32>
        %convert_element_type3A_237 = arith.extui %gt3A_236 : vector<128x512xi1> to vector<128x512xi32>
        %convert_element_type3A_238 = arith.sitofp %convert_element_type3A_237 : vector<128x512xi32> to vector<128x512xf32>
        %mul3A_239 = vector.broadcast %broadcast_in_dim3A_146 : vector<128x1xf32> to vector<128x512xf32>
        %mul3A_240 = arith.mulf %convert_element_type3A_238, %mul3A_239 : vector<128x512xf32>
        %reduce_max3A_241 = arith.constant dense<0xFF800000> : vector<512xf32>
        %reduce_max3A_242 = vector.multi_reduction <maximumf>, %mul3A_240, %reduce_max3A_241 [0] : vector<128x512xf32> to vector<512xf32>
        %broadcast_in_dim3A_243 = vector.shape_cast %reduce_max3A_242 : vector<512xf32> to vector<1x512xf32>
        %get3A_244 = arith.constant 0 : index
        %get3A_245 = arith.index_cast %multiple_of3A_189 : i32 to index
        %get3A_246 = vector.load %arg7[%get3A_244, %get3A_245] : memref<1x5504xf32, #tpu.memory_space<vmem>>, vector<1x512xf32>
        %sub3A_247 = arith.constant 1.000000e+00 : f32
        %sub3A_248 = vector.broadcast %sub3A_247 : f32 to vector<1x512xf32>
        %sub3A_249 = arith.subf %sub3A_248, %broadcast_in_dim3A_243 : vector<1x512xf32>
        %mul3A_250 = arith.mulf %get3A_246, %sub3A_249 : vector<1x512xf32>
        %swap3A_251 = arith.constant 0 : index
        %swap3A_252 = arith.index_cast %multiple_of3A_189 : i32 to index
        %swap3A_253 = vector.load %arg7[%swap3A_251, %swap3A_252] : memref<1x5504xf32, #tpu.memory_space<vmem>>, vector<1x512xf32>
        tpu.vector_store %arg7[%swap3A_251, %swap3A_252], %mul3A_250 {strides = array<i32>} : memref<1x5504xf32, #tpu.memory_space<vmem>>, vector<1x512xf32>,
      }
    }
    %scan3A_30 = arith.constant 40 : i32
    %get3A_31 = arith.constant 0 : index
    %get3A_32 = arith.constant 0 : index
    %get3A_33 = vector.load %arg7[%get3A_31, %get3A_32] : memref<1x5504xf32, #tpu.memory_space<vmem>>, vector<1x5120xf32>
    %get3A_34 = arith.constant 0 : index
    %get3A_35 = arith.constant 0 : index
    %get3A_36 = vector.load %arg4[%get3A_34, %get3A_35] : memref<4x5504xf32, #tpu.memory_space<vmem>>, vector<4x5120xf32>
    %mul3A_37 = vector.broadcast %get3A_33 : vector<1x5120xf32> to vector<4x5120xf32>
    %mul3A_38 = arith.mulf %get3A_36, %mul3A_37 : vector<4x5120xf32>
    %swap3A_39 = arith.constant 0 : index
    %swap3A_40 = arith.constant 0 : index
    %swap3A_41 = vector.load %arg6[%swap3A_39, %swap3A_40] : memref<5x5120xf32, #tpu.memory_space<vmem>>, vector<4x5120xf32>
    tpu.vector_store %arg6[%swap3A_39, %swap3A_40], %mul3A_38 {strides = array<i32>} : memref<5x5120xf32, #tpu.memory_space<vmem>>, vector<4x5120xf32>,
    %get3A_42 = arith.constant 0 : index
    %get3A_43 = arith.constant 0 : index
    %get3A_44 = vector.load %arg5[%get3A_42, %get3A_43] : memref<1x5120xf32, #tpu.memory_space<vmem>>, vector<1x5120xf32>
    %max3A_45 = arith.constant 9.99999993E-9 : f32
    %max3A_46 = vector.broadcast %max3A_45 : f32 to vector<1x5120xf32>
    %max3A_47 = arith.maximumf %get3A_44, %max3A_46 : vector<1x5120xf32>
    %sqrt3A = math.sqrt %max3A_47 : vector<1x5120xf32>
    %mul3A_48 = arith.mulf %sqrt3A, %get3A_33 : vector<1x5120xf32>
    %swap3A_49 = arith.constant 4 : index
    %swap3A_50 = arith.constant 0 : index
    %swap3A_51 = vector.load %arg6[%swap3A_49, %swap3A_50] : memref<5x5120xf32, #tpu.memory_space<vmem>>, vector<1x5120xf32>
    tpu.vector_store %arg6[%swap3A_49, %swap3A_50], %mul3A_48 {strides = array<i32>} : memref<5x5120xf32, #tpu.memory_space<vmem>>, vector<1x5120xf32>,
    return
  }
}

</mosaic_0001>

<sc_bundles>
// kernel: kernel.4.cloned.1.call-start
scs
__scs_entry_jumppad:
0x0: {  	(pc) =	sbr.rel $0x88, $3  }
0x1: {  	(tag) =	ssettag $0x0;
	lr =	simm.s32 $0x1  }
0x2: {  	[smem:$0x3F9F] =	sst lr;
	_ =	strace $0xD0000000  }
0x3: {  	_ = 	snop  }
0x4: {  	_ = 	snop  }
0x5: {  	_ = 	snop  }
0x6: {  	_ = 	snop  }
0x7: {  	_ = 	snop  }
__scs_overlays_trampoline_lowered:
0x8: {  	[smem:$0x3FAE] =	sst s0  }
0x9: {  	[smem:$0x3FAF] =	sst s1  }
0xa: {  	[smem:$0x3FB0] =	sst s2  }
0xb: {  	[smem:$0x3FB1] =	sst s3  }
0xc: {  	[smem:$0x3FB2] =	sst s4  }
0xd: {  	[smem:$0x3FB3] =	sst s5  }
0xe: {  	[smem:$0x3FB4] =	sst s6  }
0xf: {  	[smem:$0x3FB5] =	sst s7  }
0x10: {  	[smem:$0x3FB6] =	sst s8  }
0x11: {  	[smem:$0x3FB7] =	sst s9;
	s0 =	simm.s32 @!p0 $0x0  }
0x12: {  	s1 =	sld [smem:$0x3F9D];
	s0 =	simm.s32 @p0 $0x1  }
0x13: {  	[smem:$0x3FB8] =	sst s0;
	s0 =	simm.s32 @!p1 $0x0  }
0x14: {  	s2 =	sld [smem:$0x3F9C];
	s0 =	simm.s32 @p1 $0x1  }
0x15: {  	[smem:$0x3FB9] =	sst s0;
	s0 =	simm.s32 @!p2 $0x0  }
0x16: {  	s3 =	sld [smem:$0x3FDB];
	s0 =	simm.s32 @p2 $0x1  }
0x17: {  	s4 =	simm.s32 $0x1BF5;
	[smem:$0x3FBB] =	sst s0  }
0x18: {  	s0 =	sld [smem:$0x3F9E];
	_ =	swait.ge [sflag:s4], $0x0  }
0x19: {  	s7 =	sld [smem:$0x3F9F]  }
0x1a: {  	s8 =	sadd.s32 $0xFFFFE003, lr  }
0x1b: {  	s9 =	sadd.s32 $0xFFFFFEF7, lr;
	s5 =	simm.s32 $0xFFFFFFFF;
	p2 =	slt.u32 s8, $0xFFFFF086  }
0x1c: {  	p1 =	slt.u32 s9, $0xF7A;
	s5 =	simm.s32 @!p2 $0x0  }
0x1d: {  	s5 =	simm.s32 @p1 $0x1;
	p0 =	seq.s32 s7, s2  }
0x1e: {  	s7 =	smul.u32 @!p0 $0xF7A, s2;
	p2 =	seq.s32 @!p0 s5, $0x0  }
0x1f: {  	s9 =	smul.u32 $0xF7A, s1;
	s8 =	simm.s32 @!p0 $0x1BF5;
	p2 =	por !p2, p0  }
0x20: {  	[sflag:s8] =	ssyncset.s32 @!p0 $0xFFFFF086;
	s6 =	sadd.s32 @!p0 s3, s7;
	s7 =	simm.s32 @!p0 $0x108  }
0x21: {  	s3 =	sadd.s32 s3, s9;
	s6 =	sadd.s32 @!p0 $0x88, s6;
	s7 =	simm.s32 @p2 $0x1082  }
0x22: {  	[simem:s7], [sflag:s8] =	dma.local @!p0 [hbm:s6], $0xF7A  }
0x23: {  	s9 =	sor.u32 $0xD0000000, s2;
	s6 =	simm.s32 $0x108;
	_ =	swait.ge @!p0 [sflag:s8], $0x0  }
0x24: {  	s3 =	sadd.s32 $0x88, s3;
	s6 =	simm.s32 @!p1 $0x1082;
	[sflag:s4] =	ssyncset.s32 $0xFFFFF086  }
0x25: {  	[simem:s6], [sflag:s4] =	dma.local [hbm:s3], $0xF7A  }
0x26: {  	[smem:$0x3F9F] =	sst s1;
	(tag) =	ssettag s2;
	_ =	strace s9  }
0x27: {  	s1 =	sld [smem:$0x3FAF]  }
0x28: {  	s2 =	sld [smem:$0x3FB0]  }
0x29: {  	s4 =	sld [smem:$0x3FB2]  }
0x2a: {  	p0 =	seq.s32 s5, $0x0;
	s5 =	sld [smem:$0x3FB3]  }
0x2b: {  	s6 =	sld [smem:$0x3FB4]  }
0x2c: {  	s7 =	sld [smem:$0x3FB5]  }
0x2d: {  	s3 =	simm.s32 $0x108;
	s8 =	sld [smem:$0x3FB6]  }
0x2e: {  	s3 =	simm.s32 @!p0 $0x1082;
	s9 =	sld [smem:$0x3FB7]  }
0x2f: {  	lr =	sadd.s32 s0, s3;
	s0 =	sld [smem:$0x3FAE]  }
0x30: {  	s3 =	sld [smem:$0x3FB1]  }
0x31: {  	[smem:$0x3FBA] =	sst s10  }
0x32: {  	s10 =	sld [smem:$0x3FB8];
	_ =	sdelay $0x3  }
0x33: {  	p0 =	seq.s32 s10, $0x1;
	s10 =	sld [smem:$0x3FBA];
	_ =	sdelay $0x3  }
0x34: {  	[smem:$0x3FBA] =	sst s10  }
0x35: {  	s10 =	sld [smem:$0x3FB9];
	_ =	sdelay $0x3  }
0x36: {  	p1 =	seq.s32 s10, $0x1;
	s10 =	sld [smem:$0x3FBA];
	_ =	sdelay $0x3  }
0x37: {  	[smem:$0x3FBA] =	sst s10  }
0x38: {  	s10 =	sld [smem:$0x3FBB]  }
0x39: {  	_ = 	snop;
	(pc) =	sbr.ind lr, $3  }
0x3a: {  	_ = 	snop  }
0x3b: {  	_ = 	snop  }
0x3c: {  	p2 =	seq.s32 s10, $0x1;
	s10 =	sld [smem:$0x3FBA]  }
0x3d: {  	_ =	shalt  }
0x3e: {  	_ =	shalt  }
0x3f: {  	_ =	shalt  }
0x40: {  	_ =	shalt  }
0x41: {  	_ =	shalt  }
0x42: {  	_ =	shalt  }
0x43: {  	_ =	shalt  }
0x44: {  	_ =	shalt  }
0x45: {  	_ =	shalt  }
0x46: {  	_ =	shalt  }
0x47: {  	_ =	shalt  }
0x48: {  	_ =	shalt  }
0x49: {  	_ =	shalt  }
0x4a: {  	_ =	shalt  }
0x4b: {  	_ =	shalt  }
0x4c: {  	_ =	shalt  }
0x4d: {  	_ =	shalt  }
0x4e: {  	_ =	shalt  }
0x4f: {  	_ =	shalt  }
0x50: {  	_ =	shalt  }
0x51: {  	_ =	shalt  }
0x52: {  	_ =	shalt  }
0x53: {  	_ =	shalt  }
0x54: {  	_ =	shalt  }
0x55: {  	_ =	shalt  }
0x56: {  	_ =	shalt  }
0x57: {  	_ =	shalt  }
0x58: {  	_ =	shalt  }
0x59: {  	_ =	shalt  }
0x5a: {  	_ =	shalt  }
0x5b: {  	_ =	shalt  }
0x5c: {  	_ =	shalt  }
0x5d: {  	_ =	shalt  }
0x5e: {  	_ =	shalt  }
0x5f: {  	_ =	shalt  }
0x60: {  	_ =	shalt  }
0x61: {  	_ =	shalt  }
0x62: {  	_ =	shalt  }
0x63: {  	_ =	shalt  }
0x64: {  	_ =	shalt  }
0x65: {  	_ =	shalt  }
0x66: {  	_ =	shalt  }
0x67: {  	_ =	shalt  }
0x68: {  	_ =	shalt  }
0x69: {  	_ =	shalt  }
0x6a: {  	_ =	shalt  }
0x6b: {  	_ =	shalt  }
0x6c: {  	_ =	shalt  }
0x6d: {  	_ =	shalt  }
0x6e: {  	_ =	shalt  }
0x6f: {  	_ =	shalt  }
0x70: {  	_ =	shalt  }
0x71: {  	_ =	shalt  }
0x72: {  	_ =	shalt  }
0x73: {  	_ =	shalt  }
0x74: {  	_ =	shalt  }
0x75: {  	_ =	shalt  }
0x76: {  	_ =	shalt  }
0x77: {  	_ =	shalt  }
0x78: {  	_ =	shalt  }
0x79: {  	_ =	shalt  }
0x7a: {  	_ =	shalt  }
0x7b: {  	_ =	shalt  }
0x7c: {  	_ =	shalt  }
0x7d: {  	_ =	shalt  }
0x7e: {  	_ =	shalt  }
0x7f: {  	_ =	shalt  }
0x80: {  	_ =	shalt  }
0x81: {  	_ =	shalt  }
0x82: {  	_ =	shalt  }
0x83: {  	_ =	shalt  }
0x84: {  	_ =	shalt  }
0x85: {  	_ =	shalt  }
0x86: {  	_ =	shalt  }
0x87: {  	_ =	shalt  }
.Lfunc_end0:
.L_simem_size_0:
called_computation_lowered:
.L_overlay_start_0:
0x88: {  	s2 =	sld [smem:$0x3FD9]  }
0x89: {  	s3 =	sld [smem:$0x3FFE];
	_ =	sdelay $0x1  }
0x8a: {  	s1 =	srdreg.scid  }
0x8b: {  	s0 =	sand.u32 $0x1, s1  }
0x8c: {  	s17 =	sshll.u32 s0, $0xA;
	s2 =	sadd.s32 s3, s2  }
0x8d: {  	s2 =	sadd.s32 s2, s17  }
0x8e: {  	[smem:$0x3FC6] =	sst s2  }
0x8f: {  	_ = 	snop  }
0x90: {  	s2 =	sld [smem:$0x3FD0];
	(tm) =	ssettm $0x1  }
0x91: {  	s18 =	sld [smem:$0x3FFB];
	_ =	sdelay $0x3  }
0x92: {  	_ =	strace s18  }
0x93: {  	s3 =	sld [smem:$0x3FFC];
	_ =	sdelay $0x3  }
0x94: {  	_ =	strace s3  }
0x95: {  	s3 =	sld [smem:$0x3FFD];
	_ =	sdelay $0x3  }
0x96: {  	_ =	strace s3  }
0x97: {  	_ =	strace $0x8FFFFFFF  }
0x98: {  	s19 =	sld [smem:$0x3FDB];
	_ =	sdelay $0x1  }
0x99: {  	s4 =	simm.s32 $_scs_section_size  }
0x9a: {  	s5 =	simm.s32 $_size__tile_overlayer_lowered;
	s6 =	simm.s32 $_tile_overlayer_lowered  }
0x9b: {  	s22 =	simm.s32 $0x1BFF;
	s21 =	sshll.u32 s6, $0x1;
	s3 =	sadd.s32 s4, s19  }
0x9c: {  	s7 =	simm.s32 $0x0;
	s20 =	sshll.u32 s5, $0x1;
	s5 =	sadd.s32 s21, s3  }
0x9d: {  	[timem:s7], [sflag:s22] =	dma.local [hbm:s5], s20  }
0x9e: {  	_ =	swait.ge [sflag:s22], s20  }
0x9f: {  	s4 =	ssub.s32 $0x0, s20;
	[sflag:s22] =	ssyncset.done $0x0  }
0xa0: {  	[sflag:s22] =	ssyncadd.s32 s4;
	_ =	sdelay $0x1  }
0xa1: {  	s23 =	simm.s32 $0x1B8B  }
0xa2: {  	_ =	swait.ge [sflag:s23], $0x1  }
0xa3: {  	[sflag:s23] =	ssyncset.done $0x0  }
0xa4: {  	s25 =	simm.s32 $0x1B8E;
	s24 =	sld [smem:$0x3FFE];
	[sflag:s23] =	ssyncadd.s32 $0xFFFFFFFF  }
0xa5: {  	s26 =	simm.s32 $execute0_lowered;
	[smem:$0x3FD2] =	sst s25  }
0xa6: {  	s5 =	sshll.u32 s26, $0x1;
	_ =	strace $0x80000046;
	[dreg:$0x1] =	wrdreg $0xFFFFFFFF  }
0xa7: {  	s28 =	simm.s32 $_size_execute0_lowered;
	s3 =	sadd.s32 s3, s5;
	[dreg:$0x0] =	wrdreg $0x0  }
0xa8: {  	s5 =	sshll.u32 s28, $0x1;
	[dreg:$0x2] =	wrdreg s3  }
0xa9: {  	[dreg:$0x3] =	wrdreg s5  }
0xaa: {  	[dreg:$0x4] =	wrdreg $0xC0  }
0xab: {  	_ =	task [dreg:s7], $0x5FFFF  }
0xac: {  	[dreg:$0x1] =	wrdreg $0xFFFFFFFF  }
0xad: {  	[dreg:$0x0] =	wrdreg $0x60  }
0xae: {  	[dreg:$0x2] =	wrdreg s24  }
0xaf: {  	[dreg:$0x3] =	wrdreg s2  }
0xb0: {  	[dreg:$0x4] =	wrdreg $0x9  }
0xb1: {  	_ =	task.clear_ibuf [dreg:s7], $0x5FFFF;
	_ =	strace $0x90000046  }
0xb2: {  	s29 =	simm.s32 $0x9;
	_ =	strace $0x80000048  }
0xb3: {  	_ =	swait.ge [sflag:s29], $0x1  }
0xb4: {  	[sflag:s29] =	ssyncadd.s32 $0xFFFFFFFF  }
0xb5: {  	_ =	strace $0x90000048  }
0xb6: {  	_ =	sfence  }
0xb7: {  	s30 =	sld [smem:$0x0];
	_ =	sdelay $0x2  }
0xb8: {  	s31 =	sshll.u32 s1, $0xD;
	s1 =	sshrl.u32 s1, $0x2  }
0xb9: {  	s3 =	sand.u32 $0x4000, s31;
	s1 =	sadd.s32 s1, s30  }
0xba: {  	s0 =	sor.u32 s3, s0;
	s1 =	sshll.u32 s1, $0x11  }
0xbb: {  	s0 =	sor.u32 s1, s0  }
0xbc: {  	s0 =	sadd.s32 $0x8F2B, s0  }
0xbd: {  	[sflag:s0] =	ssyncadd.remote.s32 $0x1  }
0xbe: {  	_ =	sfence.sel $0xFFFF  }
0xbf: {  	[dreg:$0x0] =	wrdreg $0xFFFFFFFF;
	(pc) =	sbr.abs _section_cstart, $3  }
0xc0: {  	[dreg:$0x1] =	wrdreg $0xFFFFFFFF  }
0xc1: {  	_ =	task.clear_ibuf [dreg:s7], $0x2FFFF;
	_ =	strace $0x9FFFFFFF  }
0xc2: {  	(tm) =	ssettm $0x7FFFFFFF  }
0xc3: {  	_ =	shalt  }
tec
execute0_lowered:
.L_overlay_start_1:
0x0: {  	(tag) =	ssettag $0x1  }
0x1: {  	s1 =	srdreg.scid;
	s0 =	stileid.u32  }
0x2: {  	s12 =	sand.u32 $0x1, s1;
	s29 =	sshll.u32 s0, $0x1  }
0x3: {  	s2 =	rddreg [dreg:$0x0];
	s13 =	sor.u32 s12, s29  }
0x4: {  	s4 =	rddreg [dreg:$0x1];
	s5 =	smul.u32 $0xA0, s13  }
0x5: {  	s3 =	simm.s32 $0x0;
	s1 =	rddreg [dreg:$0x2]  }
0x6: {  	[smem:$0x7FF] =	sst s3;
	s5 =	sshrl.u32 s5, $0x3  }
0x7: {  	_ =	strace $0x80000047;
	s5 =	sadd.s32 s4, s5;
	s4 =	simm.s32 $0x2  }
0x8: {  	[tilespmem:s3], [sflag:$0x2] =	stream.linear.gather [hbm4b:s5+s3], $0x50, $0x38;
	[tilespmem:$0x5100] =	vst v63  }
0x9: {  	_ =	swait.ge [sflag:s4], $0x50  }
0xa: {  	[sflag:s4] =	ssyncset.done $0x0  }
0xb: {  	s7 =	simm.s32 $0x80;
	s6 =	sadd.s32 $0xA, s5;
	[sflag:s4] =	ssyncadd.s32 $0xFFFFFFB0  }
0xc: {  	[tilespmem:s7], [sflag:$0x2] =	stream.linear.gather [hbm4b:s6+s3], $0x50, $0x38;
	[tilespmem:$0x5100] =	vst v63  }
0xd: {  	_ =	swait.ge [sflag:s4], $0x50  }
0xe: {  	[sflag:s4] =	ssyncset.done $0x0  }
0xf: {  	s8 =	simm.s32 $0x50;
	s9 =	simm.s32 $0x100;
	[sflag:s4] =	ssyncadd.s32 $0xFFFFFFB0  }
0x10: {  	[tilespmem:s9], [sflag:$0x1] =	stream.indirect.gather [hbm4b:s2+s8], $0x80, s3, s8, $0xb8;
	[tilespmem:$0x5100] =	vst v63  }
0x11: {  	s10 =	simm.s32 $0x2900;
	s11 =	simm.s32 $0x1;
	s12 =	ssub.s32 $0x2, s12  }
0x12: {  	[tilespmem:s10], [sflag:$0x1] =	stream.indirect.gather [hbm4b:s2+s8], $0x80, s7, s8, $0xb8;
	[tilespmem:$0x5100] =	vst v63  }
0x13: {  	s14 =	sshrl.u32 s12, $0x1;
	_ =	swait.ge [sflag:s11], $0x2800  }
0x14: {  	s14 =	ssub.s32 s12, s14;
	[sflag:s11] =	ssyncset.done $0x0  }
0x15: {  	s13 =	smul.u32 $0xA00, s13;
	s31 =	smax.u32 s14, $0x1;
	[sflag:s11] =	ssyncadd.s32 $0xFFFFD800  }
0x16: {  	p0 =	sne.s32 s31, $0x1;
	_ =	swait.ge [sflag:s11], $0x2800  }
.Ltmp0:
0x17: {  	s30 =	sadd.s32 s13, s2;
	[sflag:s11] =	ssyncset.done $0x0;
	(pc) =	sbr.rel @!p0 .LBB2_2-.Ltmp0, $4  }
0x18: {  	s12 =	sadd.s32 $0x14000, s30;
	[sflag:s11] =	ssyncadd.s32 $0xFFFFD800  }
0x19: {  	[hbm4b:s12+s3] =	stream.linear.scatter [tilespmem:s9], [sflag:$0x2], $0x5000, $0x38;
	[tilespmem:$0x5100] =	vst v63  }
0x1a: {  	_ =	swait.ge [sflag:s4], $0x5000  }
0x1b: {  	s13 =	sadd.s32 $0xFFFFFFFF, s31;
	[sflag:s4] =	ssyncset.done $0x0  }
.LBB2_1:
0x1c: {  	p0 =	sne.s32 s13, $0x1;
	s13 =	sadd.s32 $0xFFFFFFFF, s13;
	[sflag:s4] =	ssyncadd.s32 $0xFFFFB000  }
0x1d: {  	[tilespmem:s3], [sflag:$0x2] =	stream.linear.gather [hbm4b:s5+s3], $0x50, $0x38;
	[tilespmem:$0x5100] =	vst v63  }
0x1e: {  	_ =	swait.ge [sflag:s4], $0x50  }
0x1f: {  	[sflag:s4] =	ssyncset.done $0x0  }
0x20: {  	[sflag:s4] =	ssyncadd.s32 $0xFFFFFFB0  }
0x21: {  	[tilespmem:s7], [sflag:$0x2] =	stream.linear.gather [hbm4b:s6+s3], $0x50, $0x38;
	[tilespmem:$0x5100] =	vst v63  }
0x22: {  	_ =	swait.ge [sflag:s4], $0x50  }
0x23: {  	[sflag:s4] =	ssyncset.done $0x0  }
0x24: {  	[sflag:s4] =	ssyncadd.s32 $0xFFFFFFB0  }
0x25: {  	[tilespmem:s9], [sflag:$0x1] =	stream.indirect.gather [hbm4b:s2+s8], $0x80, s3, s8, $0xb8;
	[tilespmem:$0x5100] =	vst v63  }
0x26: {  	_ = 	snop  }
0x27: {  	[tilespmem:s10], [sflag:$0x1] =	stream.indirect.gather [hbm4b:s2+s8], $0x80, s7, s8, $0xb8;
	[tilespmem:$0x5100] =	vst v63  }
0x28: {  	_ =	swait.ge [sflag:s11], $0x2800  }
0x29: {  	[sflag:s11] =	ssyncset.done $0x0  }
0x2a: {  	[sflag:s11] =	ssyncadd.s32 $0xFFFFD800  }
0x2b: {  	_ =	swait.ge [sflag:s11], $0x2800  }
.Ltmp1:
0x2c: {  	[sflag:s11] =	ssyncset.done $0x0;
	(pc) =	sbr.rel @p0 .LBB2_1-.Ltmp1, $4  }
0x2d: {  	[sflag:s11] =	ssyncadd.s32 $0xFFFFD800  }
0x2e: {  	[hbm4b:s12+s3] =	stream.linear.scatter [tilespmem:s9], [sflag:$0x2], $0x5000, $0x38;
	[tilespmem:$0x5100] =	vst v63  }
0x2f: {  	_ =	swait.ge [sflag:s4], $0x5000  }
0x30: {  	[sflag:s4] =	ssyncset.done $0x0  }
.LBB2_2:
0x31: {  	[sflag:s4] =	ssyncadd.s32 $0xFFFFB000  }
0x32: {  	_ =	sfence.sel $0x180000  }
0x33: {  	[bflag:$0x0] =	sbarrier.arrive $0xFFFF  }
0x34: {  	p0 =	sne.s32 s0, $0x0;
	_ =	strace $0x90000047  }
0x35: {  	s0 =	sadd.s32 @!p0 $0x100000, s1;
	[bflag:$0x2] =	sbarrier.arrive $0xFFFF  }
0x36: {  	[sflag:s0] =	ssyncadd.tile.s32 @!p0 $0x1;
	_ =	shalt  }
.Lfunc_end2:
_tile_overlayer_lowered:
.L_overlay_start_2:
0x37: {  	(tag) =	ssettag $0x2  }
0x38: {  	s0 =	rddreg [dreg:$0x0];
	s2 =	stileid.u32  }
0x39: {  	s1 =	rddreg [dreg:$0x1];
	p0 =	sne.s32 s2, $0x0  }
0x3a: {  	s3 =	rddreg [dreg:$0x2];
	[bflag:$0x3] =	sbarrier.arrive $0xFFFF;
	s2 =	simm.s32 @!p0 $0x1C02  }
0x3b: {  	[timem:s3], [sflag:s2] =	dma.local @!p0 [hbm:s0], s1  }
0x3c: {  	s0 =	simm.s32 @!p0 $0x2  }
0x3d: {  	_ =	swait.ge @!p0 [sflag:s0], s1  }
0x3e: {  	s1 =	ssub.s32 @!p0 $0x0, s1;
	[sflag:s0] =	ssyncset.done @!p0 $0x0  }
0x3f: {  	[sflag:s0] =	ssyncadd.s32 @!p0 s1  }
0x40: {  	[bflag:$0x3] =	sbarrier.arrive $0xFFFF  }
0x41: {  	_ =	shalt  }

</sc_bundles>
